<compile_context>
chip_gen: v7x
topology: tpu7x:2x2x1
jax: 0.10.2.dev20260603
libtpu: 0.0.44.dev20260713+nightly
codegen_flags: <defaults>
</compile_context>

<pallas_src>
import functools

import jax
import jax.numpy as jnp
from jax import lax
from jax.experimental import pallas as pl
from jax.experimental.pallas import tpu as pltpu
from jax.experimental.pallas import tpu_sc as plsc


def kernel(inputs, pos_table):
    N, T = inputs.shape
    H = pos_table.shape[1]
    D = T * H
    scale = float(H) ** 0.5

    NC, NS = 2, 16
    NW = NC * NS
    N_TC = 3 * N // 4
    N_SC = N - N_TC
    rows_per_w = N_SC // NW

    BN = 128

    def tc_body(tab_ref, out_ref):
        out_ref[...] = jnp.broadcast_to(tab_ref[...] * scale, out_ref.shape)

    tc_half = pl.pallas_call(
        tc_body,
        grid=(N_TC // BN,),
        in_specs=[pl.BlockSpec((1, D), lambda i: (0, 0))],
        out_specs=pl.BlockSpec((BN, D), lambda i: (i, 0)),
        out_shape=jax.ShapeDtypeStruct((N_TC, D), jnp.float32),
    )(pos_table.reshape(1, D))

    mesh = plsc.VectorSubcoreMesh(core_axis_name="c", subcore_axis_name="s")

    @functools.partial(
        pl.kernel,
        mesh=mesh,
        out_type=jax.ShapeDtypeStruct((N_SC, D), jnp.float32),
        scratch_types=[
            pltpu.VMEM((D,), jnp.float32),
            pltpu.SemaphoreType.DMA,
        ],
    )
    def sc_replicate(tab_hbm, out_hbm, buf, sem):
        wid = lax.axis_index("s") * NC + lax.axis_index("c")
        pltpu.sync_copy(tab_hbm, buf)

        @pl.loop(0, D, step=16)
        def _(i):
            buf.at[pl.ds(i, 16)][...] = buf.at[pl.ds(i, 16)][...] * scale

        base = wid * rows_per_w

        @pl.loop(0, rows_per_w)
        def _(r):
            pltpu.async_copy(buf, out_hbm.at[base + r], sem)

        @pl.loop(0, rows_per_w)
        def _(r):
            pltpu.make_async_copy(buf, out_hbm.at[base + r], sem).wait()

    sc_half = sc_replicate(pos_table.reshape(D))

    flat = jnp.concatenate([sc_half, tc_half], axis=0)
    return flat.reshape(N, T, H)

# --- scband reference (transcript-rebuilt; emitter-appended) ---
"""Pipeline reference for scband-positional-encoding-83253646066219 (READ-ONLY COPY).

The authoritative reference and input builder live on the scoring server;
editing this copy changes nothing except your own understanding.
"""

import jax, jax.numpy as jnp
import numpy as np

H_UNITS = 64

def _make_table(T, h):
    pos = np.arange(T, dtype=np.float64)[:, None]
    i = np.arange(h, dtype=np.float64)[None, :]
    enc = pos / np.power(10000.0, 2.0 * i / float(h))
    enc[:, 0::2] = np.sin(enc[:, 0::2])
    enc[:, 1::2] = np.cos(enc[:, 1::2])
    return jnp.asarray(enc, dtype=jnp.float32)

def setup_inputs(seed: int = 0):
    key = jax.random.key(seed)
    N, T = 4096, 200
    inputs = jax.random.randint(key, (N, T), 0, 1000, dtype=jnp.int32)
    pos_table = _make_table(T, H_UNITS)
    return {"inputs": inputs, "pos_table": pos_table}

def reference(inputs, pos_table):
    # Faithful translation: output depends only on inputs' shape (N, T).
    N, T = inputs.shape
    position_ind = jnp.tile(jnp.arange(T, dtype=jnp.int32)[None, :], (N, 1))
    # F.embedding(position_ind, position_enc, padding_idx=0): forward is a pure gather
    # (padding_idx only affects gradients in torch).
    outputs = jnp.take(pos_table, position_ind, axis=0)
    # scale=True branch
    outputs = outputs * (H_UNITS ** 0.5)
    return outputs

if __name__ == "__main__":
    import jax
    _d = setup_inputs()
    print(jax.jit(kernel)(*tuple(_d.values())))

</pallas_src>

<mosaic_0001>
#map = affine_map<(d0, d1) -> (0)>
#map1 = affine_map<(d0, d1) -> (0, 0)>
module attributes {stable_mosaic.version = 14 : i64} {
  func.func @sc_replicate(%arg0: i32, %arg1: i32, %arg2: memref<12800xf32, #tpu.memory_space<hbm>>, %arg3: memref<1024x12800xf32, #tpu.memory_space<hbm>>, %arg4: memref<12800xf32, #tpu.memory_space<vmem>>, %arg5: memref<!tpu.dma_semaphore, #tpu.memory_space<semaphore_mem>>) attributes {dimension_semantics = [#tpu.dimension_semantics<core_parallel>, #tpu.dimension_semantics<subcore_parallel>], iteration_bounds = array<i64: 2, 16>, scalar_prefetch = 0 : i64, scratch_operands = 2 : i64, tpu.core_type = #tpu.core_type<sc_vector_subcore>, window_params = [{transform_indices = #map}, {transform_indices = #map1}]} {
    %mul3A = arith.constant 2 : i32
    %mul3A_0 = arith.muli %arg1, %mul3A : i32
    %add3A = arith.addi %mul3A_0, %arg0 : i32
    "tpu.region"() ({
      %run_scoped3A = tpu.sem_alloc : memref<!tpu.dma_semaphore, #tpu.memory_space<semaphore_mem>>
      tpu.enqueue_dma source(%arg2 : memref<12800xf32, #tpu.memory_space<hbm>>) target(%arg4 : memref<12800xf32, #tpu.memory_space<vmem>>) target_semaphore(%run_scoped3A : memref<!tpu.dma_semaphore, #tpu.memory_space<semaphore_mem>>)
      tpu.wait_dma2 semaphore(%run_scoped3A : memref<!tpu.dma_semaphore, #tpu.memory_space<semaphore_mem>>) src(%arg2 : memref<12800xf32, #tpu.memory_space<hbm>>) dst(%arg4 : memref<12800xf32, #tpu.memory_space<vmem>>)
      tpu.yield
    }) : () -> ()
    %scan3A = arith.constant 0 : i32
    %scan3A_1 = arith.constant 800 : i32
    %scan3A_2 = arith.addi %scan3A, %scan3A_1 : i32
    %scan3A_3 = arith.constant 1 : i32
    scf.for %scan3A_17 = %scan3A to %scan3A_2 step %scan3A_3  : i32 {
      %mul3A_18 = arith.constant 16 : i32
      %mul3A_19 = arith.muli %scan3A_17, %mul3A_18 : i32
      %add3A_20 = arith.constant 0 : i32
      %add3A_21 = arith.addi %add3A_20, %mul3A_19 : i32
      %get3A = arith.index_cast %add3A_21 : i32 to index
      %get3A_22 = tpu.vector_load %arg4[%get3A] {strides = array<i32>} : memref<12800xf32, #tpu.memory_space<vmem>>, vector<16xf32>,
      %get3A_23 = vector.shape_cast %get3A_22 : vector<16xf32> to vector<16xf32>
      %mul3A_24 = arith.constant 8.000000e+00 : f32
      %mul3A_25 = vector.broadcast %mul3A_24 : f32 to vector<16xf32>
      %mul3A_26 = arith.mulf %get3A_23, %mul3A_25 : vector<16xf32>
      %swap3A = arith.index_cast %add3A_21 : i32 to index
      %swap3A_27 = tpu.vector_load %arg4[%swap3A] {strides = array<i32>} : memref<12800xf32, #tpu.memory_space<vmem>>, vector<16xf32>,
      %swap3A_28 = vector.shape_cast %swap3A_27 : vector<16xf32> to vector<16xf32>
      %swap3A_29 = vector.shape_cast %mul3A_26 : vector<16xf32> to vector<16xf32>
      tpu.vector_store %arg4[%swap3A], %swap3A_29 {strides = array<i32>} : memref<12800xf32, #tpu.memory_space<vmem>>, vector<16xf32>,
    }
    %scan3A_4 = arith.constant 800 : i32
    %mul3A_5 = arith.constant 32 : i32
    %mul3A_6 = arith.muli %add3A, %mul3A_5 : i32
    %scan3A_7 = arith.constant 0 : i32
    %scan3A_8 = arith.constant 32 : i32
    %scan3A_9 = arith.addi %scan3A_7, %scan3A_8 : i32
    %scan3A_10 = arith.constant 1 : i32
    scf.for %scan3A_17 = %scan3A_7 to %scan3A_9 step %scan3A_10  : i32 {
      %mul3A_18 = arith.constant 1 : i32
      %mul3A_19 = arith.muli %scan3A_17, %mul3A_18 : i32
      %add3A_20 = arith.constant 0 : i32
      %add3A_21 = arith.addi %add3A_20, %mul3A_19 : i32
      %add3A_22 = arith.addi %mul3A_6, %add3A_21 : i32
      %dma_start3A = arith.constant 0 : i32
      %dma_start3A_23 = tpu.memref_slice %arg3[%add3A_22, %dma_start3A] : memref<1024x12800xf32, #tpu.memory_space<hbm>> -> memref<1x12800xf32, #tpu.memory_space<hbm>>
      %dma_start3A_24 = tpu.memref_squeeze %dma_start3A_23 : memref<1x12800xf32, #tpu.memory_space<hbm>> -> memref<12800xf32, #tpu.memory_space<hbm>>
      %dma_start3A_25 = arith.constant 0 : i32
      %dma_start3A_26 = tpu.memref_slice %arg3[%add3A_22, %dma_start3A_25] : memref<1024x12800xf32, #tpu.memory_space<hbm>> -> memref<1x12800xf32, #tpu.memory_space<hbm>>
      %dma_start3A_27 = tpu.memref_squeeze %dma_start3A_26 : memref<1x12800xf32, #tpu.memory_space<hbm>> -> memref<12800xf32, #tpu.memory_space<hbm>>
      tpu.enqueue_dma source(%arg4 : memref<12800xf32, #tpu.memory_space<vmem>>) target(%dma_start3A_27 : memref<12800xf32, #tpu.memory_space<hbm>>) target_semaphore(%arg5 : memref<!tpu.dma_semaphore, #tpu.memory_space<semaphore_mem>>)
    }
    %scan3A_11 = arith.constant 32 : i32
    %scan3A_12 = arith.constant 0 : i32
    %scan3A_13 = arith.constant 32 : i32
    %scan3A_14 = arith.addi %scan3A_12, %scan3A_13 : i32
    %scan3A_15 = arith.constant 1 : i32
    scf.for %scan3A_17 = %scan3A_12 to %scan3A_14 step %scan3A_15  : i32 {
      %mul3A_18 = arith.constant 1 : i32
      %mul3A_19 = arith.muli %scan3A_17, %mul3A_18 : i32
      %add3A_20 = arith.constant 0 : i32
      %add3A_21 = arith.addi %add3A_20, %mul3A_19 : i32
      %add3A_22 = arith.addi %mul3A_6, %add3A_21 : i32
      %dma_wait3A = arith.constant 0 : i32
      %dma_wait3A_23 = tpu.memref_slice %arg3[%add3A_22, %dma_wait3A] : memref<1024x12800xf32, #tpu.memory_space<hbm>> -> memref<1x12800xf32, #tpu.memory_space<hbm>>
      %dma_wait3A_24 = tpu.memref_squeeze %dma_wait3A_23 : memref<1x12800xf32, #tpu.memory_space<hbm>> -> memref<12800xf32, #tpu.memory_space<hbm>>
      %dma_wait3A_25 = arith.constant 0 : i32
      %dma_wait3A_26 = tpu.memref_slice %arg3[%add3A_22, %dma_wait3A_25] : memref<1024x12800xf32, #tpu.memory_space<hbm>> -> memref<1x12800xf32, #tpu.memory_space<hbm>>
      %dma_wait3A_27 = tpu.memref_squeeze %dma_wait3A_26 : memref<1x12800xf32, #tpu.memory_space<hbm>> -> memref<12800xf32, #tpu.memory_space<hbm>>
      tpu.wait_dma2 semaphore(%arg5 : memref<!tpu.dma_semaphore, #tpu.memory_space<semaphore_mem>>) src(%arg4 : memref<12800xf32, #tpu.memory_space<vmem>>) dst(%dma_wait3A_27 : memref<12800xf32, #tpu.memory_space<hbm>>)
    }
    %scan3A_16 = arith.constant 32 : i32
    return
  }
}

module attributes {stable_mosaic.version = 14 : i64} {
  func.func @tc_body(%arg0: i32, %arg1: memref<1x12800xf32, #tpu.memory_space<vmem>>, %arg2: memref<128x12800xf32, #tpu.memory_space<vmem>>) attributes {dimension_semantics = [#tpu.dimension_semantics<arbitrary>], iteration_bounds = array<i64: 24>, scalar_prefetch = 0 : i64, scratch_operands = 0 : i64, tpu.core_type = #tpu.core_type<tc>, window_params = [{pipeline_mode = #tpu.pipeline_mode<synchronous>, transform_indices = @transform_0, window_bounds = array<i64: 1, 12800>}, {transform_indices = @transform_1, window_bounds = array<i64: 128, 12800>}]} {
    %get3A = arith.constant 0 : index
    %get3A_0 = arith.constant 0 : index
    %get3A_1 = vector.load %arg1[%get3A, %get3A_0] : memref<1x12800xf32, #tpu.memory_space<vmem>>, vector<1x12800xf32>
    %mul3A = arith.constant 8.000000e+00 : f32
    %mul3A_2 = vector.broadcast %mul3A : f32 to vector<1x12800xf32>
    %mul3A_3 = arith.mulf %get3A_1, %mul3A_2 : vector<1x12800xf32>
    %broadcast_in_dim3A = vector.shape_cast %mul3A_3 : vector<1x12800xf32> to vector<1x12800xf32>
    %broadcast_in_dim3A_4 = vector.broadcast %broadcast_in_dim3A : vector<1x12800xf32> to vector<128x12800xf32>
    %swap3A = arith.constant 0 : index
    %swap3A_5 = arith.constant 0 : index
    %swap3A_6 = vector.load %arg2[%swap3A, %swap3A_5] : memref<128x12800xf32, #tpu.memory_space<vmem>>, vector<128x12800xf32>
    tpu.vector_store %arg2[%swap3A, %swap3A_5], %broadcast_in_dim3A_4 {strides = array<i32>} : memref<128x12800xf32, #tpu.memory_space<vmem>>, vector<128x12800xf32>,
    return
  }
  func.func @transform_0(%arg0: i32) -> (i32, i32) {
    %c0_i32 = arith.constant 0 : i32
    %c0_i32_0 = arith.constant 0 : i32
    %c0_i32_1 = arith.constant 0 : i32
    return %c0_i32, %c0_i32_0 : i32, i32
  }
  func.func @transform_1(%arg0: i32) -> (i32, i32) {
    %c0_i32 = arith.constant 0 : i32
    %c0_i32_0 = arith.constant 0 : i32
    return %arg0, %c0_i32 : i32, i32
  }
}

</mosaic_0001>

<sc_bundles>
// kernel: kernel.4.cloned.1.call-start
scs
__scs_entry_jumppad:
0x0: {  	(pc) =	sbr.rel $0x88, $3  }
0x1: {  	(tag) =	ssettag $0x0;
	lr =	simm.s32 $0x1  }
0x2: {  	[smem:$0x3FA0] =	sst lr;
	_ =	strace $0xD0000000  }
0x3: {  	_ = 	snop  }
0x4: {  	_ = 	snop  }
0x5: {  	_ = 	snop  }
0x6: {  	_ = 	snop  }
0x7: {  	_ = 	snop  }
__scs_overlays_trampoline_lowered:
0x8: {  	[smem:$0x3FAF] =	sst s0  }
0x9: {  	[smem:$0x3FB0] =	sst s1  }
0xa: {  	[smem:$0x3FB1] =	sst s2  }
0xb: {  	[smem:$0x3FB2] =	sst s3  }
0xc: {  	[smem:$0x3FB3] =	sst s4  }
0xd: {  	[smem:$0x3FB4] =	sst s5  }
0xe: {  	[smem:$0x3FB5] =	sst s6  }
0xf: {  	[smem:$0x3FB6] =	sst s7  }
0x10: {  	[smem:$0x3FB7] =	sst s8  }
0x11: {  	[smem:$0x3FB8] =	sst s9;
	s0 =	simm.s32 @!p0 $0x0  }
0x12: {  	s1 =	sld [smem:$0x3F9E];
	s0 =	simm.s32 @p0 $0x1  }
0x13: {  	[smem:$0x3FB9] =	sst s0;
	s0 =	simm.s32 @!p1 $0x0  }
0x14: {  	s2 =	sld [smem:$0x3F9D];
	s0 =	simm.s32 @p1 $0x1  }
0x15: {  	[smem:$0x3FBA] =	sst s0;
	s0 =	simm.s32 @!p2 $0x0  }
0x16: {  	s3 =	sld [smem:$0x3FDB];
	s0 =	simm.s32 @p2 $0x1  }
0x17: {  	s4 =	simm.s32 $0x1BF5;
	[smem:$0x3FBC] =	sst s0  }
0x18: {  	s0 =	sld [smem:$0x3F9F];
	_ =	swait.ge [sflag:s4], $0x0  }
0x19: {  	s7 =	sld [smem:$0x3FA0]  }
0x1a: {  	s8 =	sadd.s32 $0xFFFFE003, lr  }
0x1b: {  	s9 =	sadd.s32 $0xFFFFFEF7, lr;
	s5 =	simm.s32 $0xFFFFFFFF;
	p2 =	slt.u32 s8, $0xFFFFF086  }
0x1c: {  	p1 =	slt.u32 s9, $0xF7A;
	s5 =	simm.s32 @!p2 $0x0  }
0x1d: {  	s5 =	simm.s32 @p1 $0x1;
	p0 =	seq.s32 s7, s2  }
0x1e: {  	s7 =	smul.u32 @!p0 $0xF7A, s2;
	p2 =	seq.s32 @!p0 s5, $0x0  }
0x1f: {  	s9 =	smul.u32 $0xF7A, s1;
	s8 =	simm.s32 @!p0 $0x1BF5;
	p2 =	por !p2, p0  }
0x20: {  	[sflag:s8] =	ssyncset.s32 @!p0 $0xFFFFF086;
	s6 =	sadd.s32 @!p0 s3, s7;
	s7 =	simm.s32 @!p0 $0x108  }
0x21: {  	s3 =	sadd.s32 s3, s9;
	s6 =	sadd.s32 @!p0 $0x88, s6;
	s7 =	simm.s32 @p2 $0x1082  }
0x22: {  	[simem:s7], [sflag:s8] =	dma.local @!p0 [hbm:s6], $0xF7A  }
0x23: {  	s9 =	sor.u32 $0xD0000000, s2;
	s6 =	simm.s32 $0x108;
	_ =	swait.ge @!p0 [sflag:s8], $0x0  }
0x24: {  	s3 =	sadd.s32 $0x88, s3;
	s6 =	simm.s32 @!p1 $0x1082;
	[sflag:s4] =	ssyncset.s32 $0xFFFFF086  }
0x25: {  	[simem:s6], [sflag:s4] =	dma.local [hbm:s3], $0xF7A  }
0x26: {  	[smem:$0x3FA0] =	sst s1;
	(tag) =	ssettag s2;
	_ =	strace s9  }
0x27: {  	s1 =	sld [smem:$0x3FB0]  }
0x28: {  	s2 =	sld [smem:$0x3FB1]  }
0x29: {  	s4 =	sld [smem:$0x3FB3]  }
0x2a: {  	p0 =	seq.s32 s5, $0x0;
	s5 =	sld [smem:$0x3FB4]  }
0x2b: {  	s6 =	sld [smem:$0x3FB5]  }
0x2c: {  	s7 =	sld [smem:$0x3FB6]  }
0x2d: {  	s3 =	simm.s32 $0x108;
	s8 =	sld [smem:$0x3FB7]  }
0x2e: {  	s3 =	simm.s32 @!p0 $0x1082;
	s9 =	sld [smem:$0x3FB8]  }
0x2f: {  	lr =	sadd.s32 s0, s3;
	s0 =	sld [smem:$0x3FAF]  }
0x30: {  	s3 =	sld [smem:$0x3FB2]  }
0x31: {  	[smem:$0x3FBB] =	sst s10  }
0x32: {  	s10 =	sld [smem:$0x3FB9];
	_ =	sdelay $0x3  }
0x33: {  	p0 =	seq.s32 s10, $0x1;
	s10 =	sld [smem:$0x3FBB];
	_ =	sdelay $0x3  }
0x34: {  	[smem:$0x3FBB] =	sst s10  }
0x35: {  	s10 =	sld [smem:$0x3FBA];
	_ =	sdelay $0x3  }
0x36: {  	p1 =	seq.s32 s10, $0x1;
	s10 =	sld [smem:$0x3FBB];
	_ =	sdelay $0x3  }
0x37: {  	[smem:$0x3FBB] =	sst s10  }
0x38: {  	s10 =	sld [smem:$0x3FBC]  }
0x39: {  	_ = 	snop;
	(pc) =	sbr.ind lr, $3  }
0x3a: {  	_ = 	snop  }
0x3b: {  	_ = 	snop  }
0x3c: {  	p2 =	seq.s32 s10, $0x1;
	s10 =	sld [smem:$0x3FBB]  }
0x3d: {  	_ =	shalt  }
0x3e: {  	_ =	shalt  }
0x3f: {  	_ =	shalt  }
0x40: {  	_ =	shalt  }
0x41: {  	_ =	shalt  }
0x42: {  	_ =	shalt  }
0x43: {  	_ =	shalt  }
0x44: {  	_ =	shalt  }
0x45: {  	_ =	shalt  }
0x46: {  	_ =	shalt  }
0x47: {  	_ =	shalt  }
0x48: {  	_ =	shalt  }
0x49: {  	_ =	shalt  }
0x4a: {  	_ =	shalt  }
0x4b: {  	_ =	shalt  }
0x4c: {  	_ =	shalt  }
0x4d: {  	_ =	shalt  }
0x4e: {  	_ =	shalt  }
0x4f: {  	_ =	shalt  }
0x50: {  	_ =	shalt  }
0x51: {  	_ =	shalt  }
0x52: {  	_ =	shalt  }
0x53: {  	_ =	shalt  }
0x54: {  	_ =	shalt  }
0x55: {  	_ =	shalt  }
0x56: {  	_ =	shalt  }
0x57: {  	_ =	shalt  }
0x58: {  	_ =	shalt  }
0x59: {  	_ =	shalt  }
0x5a: {  	_ =	shalt  }
0x5b: {  	_ =	shalt  }
0x5c: {  	_ =	shalt  }
0x5d: {  	_ =	shalt  }
0x5e: {  	_ =	shalt  }
0x5f: {  	_ =	shalt  }
0x60: {  	_ =	shalt  }
0x61: {  	_ =	shalt  }
0x62: {  	_ =	shalt  }
0x63: {  	_ =	shalt  }
0x64: {  	_ =	shalt  }
0x65: {  	_ =	shalt  }
0x66: {  	_ =	shalt  }
0x67: {  	_ =	shalt  }
0x68: {  	_ =	shalt  }
0x69: {  	_ =	shalt  }
0x6a: {  	_ =	shalt  }
0x6b: {  	_ =	shalt  }
0x6c: {  	_ =	shalt  }
0x6d: {  	_ =	shalt  }
0x6e: {  	_ =	shalt  }
0x6f: {  	_ =	shalt  }
0x70: {  	_ =	shalt  }
0x71: {  	_ =	shalt  }
0x72: {  	_ =	shalt  }
0x73: {  	_ =	shalt  }
0x74: {  	_ =	shalt  }
0x75: {  	_ =	shalt  }
0x76: {  	_ =	shalt  }
0x77: {  	_ =	shalt  }
0x78: {  	_ =	shalt  }
0x79: {  	_ =	shalt  }
0x7a: {  	_ =	shalt  }
0x7b: {  	_ =	shalt  }
0x7c: {  	_ =	shalt  }
0x7d: {  	_ =	shalt  }
0x7e: {  	_ =	shalt  }
0x7f: {  	_ =	shalt  }
0x80: {  	_ =	shalt  }
0x81: {  	_ =	shalt  }
0x82: {  	_ =	shalt  }
0x83: {  	_ =	shalt  }
0x84: {  	_ =	shalt  }
0x85: {  	_ =	shalt  }
0x86: {  	_ =	shalt  }
0x87: {  	_ =	shalt  }
.Lfunc_end0:
.L_simem_size_0:
called_computation.1_lowered:
.L_overlay_start_0:
0x88: {  	s2 =	sld [smem:$0x3FD9]  }
0x89: {  	s3 =	sld [smem:$0x3FFE];
	_ =	sdelay $0x1  }
0x8a: {  	s1 =	srdreg.scid  }
0x8b: {  	s0 =	sand.u32 $0x1, s1  }
0x8c: {  	s16 =	sshll.u32 s0, $0xA;
	s2 =	sadd.s32 s3, s2  }
0x8d: {  	s2 =	sadd.s32 s2, s16  }
0x8e: {  	[smem:$0x3FC7] =	sst s2  }
0x8f: {  	_ = 	snop  }
0x90: {  	(tm) =	ssettm $0x1  }
0x91: {  	s17 =	sld [smem:$0x3FFB];
	_ =	sdelay $0x3  }
0x92: {  	_ =	strace s17  }
0x93: {  	s2 =	sld [smem:$0x3FFC];
	_ =	sdelay $0x3  }
0x94: {  	_ =	strace s2  }
0x95: {  	s2 =	sld [smem:$0x3FFD];
	_ =	sdelay $0x3  }
0x96: {  	_ =	strace s2  }
0x97: {  	_ =	strace $0x8FFFFFFF  }
0x98: {  	s18 =	sld [smem:$0x3FDB];
	_ =	sdelay $0x1  }
0x99: {  	s19 =	simm.s32 $_scs_section_size  }
0x9a: {  	s4 =	simm.s32 $_size__tile_overlayer_lowered;
	s5 =	simm.s32 $_tile_overlayer_lowered  }
0x9b: {  	s22 =	simm.s32 $0x1BFF;
	s21 =	sshll.u32 s5, $0x1;
	s2 =	sadd.s32 s19, s18  }
0x9c: {  	s6 =	simm.s32 $0x0;
	s20 =	sshll.u32 s4, $0x1;
	s4 =	sadd.s32 s21, s2  }
0x9d: {  	[timem:s6], [sflag:s22] =	dma.local [hbm:s4], s20  }
0x9e: {  	_ =	swait.ge [sflag:s22], s20  }
0x9f: {  	s3 =	ssub.s32 $0x0, s20;
	[sflag:s22] =	ssyncset.done $0x0  }
0xa0: {  	[sflag:s22] =	ssyncadd.s32 s3;
	_ =	sdelay $0x1  }
0xa1: {  	s23 =	simm.s32 $0x1B8B  }
0xa2: {  	_ =	swait.ge [sflag:s23], $0x1  }
0xa3: {  	[sflag:s23] =	ssyncset.done $0x0  }
0xa4: {  	s25 =	simm.s32 $0x1B8E;
	s24 =	sld [smem:$0x3FFE];
	[sflag:s23] =	ssyncadd.s32 $0xFFFFFFFF  }
0xa5: {  	s26 =	simm.s32 $execute0_lowered;
	[smem:$0x3FD2] =	sst s25  }
0xa6: {  	s4 =	sshll.u32 s26, $0x1;
	_ =	strace $0x80000046;
	[dreg:$0x1] =	wrdreg $0xFFFFFFFF  }
0xa7: {  	s28 =	simm.s32 $_size_execute0_lowered;
	s2 =	sadd.s32 s2, s4;
	[dreg:$0x0] =	wrdreg $0x0  }
0xa8: {  	s4 =	sshll.u32 s28, $0x1;
	[dreg:$0x2] =	wrdreg s2  }
0xa9: {  	[dreg:$0x3] =	wrdreg s4  }
0xaa: {  	[dreg:$0x4] =	wrdreg $0xC0  }
0xab: {  	_ =	task [dreg:s6], $0x5FFFF  }
0xac: {  	[dreg:$0x1] =	wrdreg $0xFFFFFFFF  }
0xad: {  	[dreg:$0x0] =	wrdreg $0x60  }
0xae: {  	[dreg:$0x2] =	wrdreg s24  }
0xaf: {  	[dreg:$0x3] =	wrdreg $0x9  }
0xb0: {  	_ =	task.clear_ibuf [dreg:s6], $0x4FFFF;
	_ =	strace $0x90000046  }
0xb1: {  	s29 =	simm.s32 $0x9;
	_ =	strace $0x80000048  }
0xb2: {  	_ =	swait.ge [sflag:s29], $0x1  }
0xb3: {  	[sflag:s29] =	ssyncadd.s32 $0xFFFFFFFF  }
0xb4: {  	_ =	strace $0x90000048  }
0xb5: {  	_ =	sfence  }
0xb6: {  	s30 =	sld [smem:$0x0];
	_ =	sdelay $0x2  }
0xb7: {  	s31 =	sshll.u32 s1, $0xD;
	s1 =	sshrl.u32 s1, $0x2  }
0xb8: {  	s3 =	sand.u32 $0x4000, s31;
	s1 =	sadd.s32 s1, s30  }
0xb9: {  	s0 =	sor.u32 s3, s0;
	s1 =	sshll.u32 s1, $0x11  }
0xba: {  	s0 =	sor.u32 s1, s0  }
0xbb: {  	s0 =	sadd.s32 $0x8F2B, s0  }
0xbc: {  	[sflag:s0] =	ssyncadd.remote.s32 $0x1  }
0xbd: {  	_ =	sfence.sel $0xFFFF  }
0xbe: {  	[dreg:$0x0] =	wrdreg $0xFFFFFFFF;
	(pc) =	sbr.abs _section_cstart, $3  }
0xbf: {  	[dreg:$0x1] =	wrdreg $0xFFFFFFFF  }
0xc0: {  	_ =	task.clear_ibuf [dreg:s6], $0x2FFFF;
	_ =	strace $0x9FFFFFFF  }
0xc1: {  	(tm) =	ssettm $0x7FFFFFFF  }
tec
execute0_lowered:
.L_overlay_start_1:
0x0: {  	(tag) =	ssettag $0x1  }
0x1: {  	s2 =	rddreg [dreg:$0x0]  }
0x2: {  	s3 =	srdreg.scid;
	s0 =	rddreg [dreg:$0x1];
	s1 =	simm.s32 $0x0  }
0x3: {  	s9 =	simm.s32 $0x400;
	s10 =	simm.s32 $0x1;
	s11 =	simm.s32 $0x0  }
0x4: {  	s5 =	sand.u32 $0x1, s3;
	[smem:$0x7FF] =	sst s1;
	s3 =	sadd.s32 $0x800, s2  }
0x5: {  	s4 =	sadd.s32 $0x1000, s2;
	s2 =	stileid.u32;
	s6 =	ssub.s32 $0x2, s5  }
0x6: {  	_ =	strace $0x80000047;
	s31 =	sshll.u32 s2, $0x6;
	s7 =	sshrl.u32 s6, $0x1  }
0x7: {  	s8 =	sshll.u32 s5, $0x5;
	s6 =	ssub.s32 s6, s7;
	s7 =	simm.s32 $0x2  }
0x8: {  	s5 =	smax.u32 s6, $0x1;
	s6 =	sor.u32 s8, s31;
	s8 =	simm.s32 $0x80  }
.LBB2_1:
0x9: {  	[tilespmem:s1], [sflag:$0x2] =	stream.linear.gather [hbm4b:s3+s1], $0x3200, $0x38;
	[tilespmem:$0x3200] =	vst v63  }
0xa: {  	_ =	swait.ge [sflag:s7], $0x3200  }
0xb: {  	[sflag:s7] =	ssyncset.done $0x0  }
0xc: {  	s12 =	simm.s32 $0x0;
	s13 =	simm.s32 $0x40;
	[sflag:s7] =	ssyncadd.s32 $0xFFFFCE00  }
.LBB2_2:
0xd: {  	p0 =	sne.s32 s13, $0xC7C0;
	v0 =	vld [tilespmem:s12+$0x0];
	_ =	sdelay $0x2  }
.Ltmp0:
0xe: {  	(pc) =	sbr.rel @p0 .LBB2_2-.Ltmp0, $3  }
0xf: {  	_ = 	snop  }
0x10: {  	v0 =	vmul.f32 $8.000000000e+00, v0;
	_ =	sdelay $0x1  }
0x11: {  	[tilespmem:s12+$0x0] =	vst v0;
	s12 =	sshra.s32 s13, $0x2;
	s13 =	sadd.s32 $0x40, s13  }
0x12: {  	v0 =	vld [tilespmem:s12+$0x0];
	_ =	sdelay $0x2  }
0x13: {  	s13 =	sshrl.u32 s6, $0x3  }
0x14: {  	s14 =	simm.s32 $0x0;
	s13 =	smul.u32 $0x19000, s13  }
0x15: {  	s14 =	sand.u32 $0x380, s14;
	v0 =	vmul.f32 $8.000000000e+00, v0  }
0x16: {  	s13 =	sor.u32 s14, s13  }
0x17: {  	s14 =	sshrl.u32 s13, $0x3;
	s13 =	sadd.s32 $0x1, s6;
	[tilespmem:s12+$0x0] =	vst v0;
	s12 =	simm.s32 $0x80  }
.LBB2_4:
0x18: {  	s15 =	sshrl.u32 s13, $0x3  }
0x19: {  	s14 =	sadd.s32 s4, s14;
	s16 =	smov.u32 s12;
	p0 =	sne.s32 s12, $0xF80  }
0x1a: {  	[hbm4b:s14+s8] =	stream.strided.scatter [tilespmem:s1], [sflag:$0x1], $0x3200, s9, s8, $0x38;
	[tilespmem:$0x3200] =	vst v63  }
.Ltmp1:
0x1b: {  	_ = 	snop;
	(pc) =	sbr.rel @p0 .LBB2_4-.Ltmp1, $4  }
0x1c: {  	s12 =	sadd.s32 $0x80, s12;
	s14 =	smul.u32 $0x19000, s15  }
0x1d: {  	s15 =	sand.u32 $0x380, s16  }
0x1e: {  	s14 =	sor.u32 s15, s14  }
0x1f: {  	s13 =	sadd.s32 $0x1, s13;
	s14 =	sshrl.u32 s14, $0x3  }
0x20: {  	s12 =	sadd.s32 s4, s14  }
0x21: {  	[hbm4b:s12+s8] =	stream.strided.scatter [tilespmem:s1], [sflag:$0x1], $0x3200, s9, s8, $0x38;
	[tilespmem:$0x3200] =	vst v63  }
0x22: {  	_ =	swait.ge [sflag:s10], $0x3200  }
0x23: {  	[sflag:s10] =	ssyncset.done $0x0  }
0x24: {  	[sflag:s10] =	ssyncadd.s32 $0xFFFFCE00  }
0x25: {  	_ =	swait.ge [sflag:s10], $0x3200  }
0x26: {  	[sflag:s10] =	ssyncset.done $0x0  }
0x27: {  	[sflag:s10] =	ssyncadd.s32 $0xFFFFCE00  }
0x28: {  	_ =	swait.ge [sflag:s10], $0x3200  }
0x29: {  	[sflag:s10] =	ssyncset.done $0x0  }
0x2a: {  	[sflag:s10] =	ssyncadd.s32 $0xFFFFCE00  }
0x2b: {  	_ =	swait.ge [sflag:s10], $0x3200  }
0x2c: {  	[sflag:s10] =	ssyncset.done $0x0  }
0x2d: {  	[sflag:s10] =	ssyncadd.s32 $0xFFFFCE00  }
0x2e: {  	_ =	swait.ge [sflag:s10], $0x3200  }
0x2f: {  	[sflag:s10] =	ssyncset.done $0x0  }
0x30: {  	[sflag:s10] =	ssyncadd.s32 $0xFFFFCE00  }
0x31: {  	_ =	swait.ge [sflag:s10], $0x3200  }
0x32: {  	[sflag:s10] =	ssyncset.done $0x0  }
0x33: {  	[sflag:s10] =	ssyncadd.s32 $0xFFFFCE00  }
0x34: {  	_ =	swait.ge [sflag:s10], $0x3200  }
0x35: {  	[sflag:s10] =	ssyncset.done $0x0  }
0x36: {  	[sflag:s10] =	ssyncadd.s32 $0xFFFFCE00  }
0x37: {  	_ =	swait.ge [sflag:s10], $0x3200  }
0x38: {  	[sflag:s10] =	ssyncset.done $0x0  }
0x39: {  	[sflag:s10] =	ssyncadd.s32 $0xFFFFCE00  }
0x3a: {  	_ =	swait.ge [sflag:s10], $0x3200  }
0x3b: {  	[sflag:s10] =	ssyncset.done $0x0  }
0x3c: {  	[sflag:s10] =	ssyncadd.s32 $0xFFFFCE00  }
0x3d: {  	_ =	swait.ge [sflag:s10], $0x3200  }
0x3e: {  	[sflag:s10] =	ssyncset.done $0x0  }
0x3f: {  	[sflag:s10] =	ssyncadd.s32 $0xFFFFCE00  }
0x40: {  	_ =	swait.ge [sflag:s10], $0x3200  }
0x41: {  	[sflag:s10] =	ssyncset.done $0x0  }
0x42: {  	[sflag:s10] =	ssyncadd.s32 $0xFFFFCE00  }
0x43: {  	_ =	swait.ge [sflag:s10], $0x3200  }
0x44: {  	[sflag:s10] =	ssyncset.done $0x0  }
0x45: {  	[sflag:s10] =	ssyncadd.s32 $0xFFFFCE00  }
0x46: {  	_ =	swait.ge [sflag:s10], $0x3200  }
0x47: {  	[sflag:s10] =	ssyncset.done $0x0  }
0x48: {  	[sflag:s10] =	ssyncadd.s32 $0xFFFFCE00  }
0x49: {  	_ =	swait.ge [sflag:s10], $0x3200  }
0x4a: {  	[sflag:s10] =	ssyncset.done $0x0  }
0x4b: {  	[sflag:s10] =	ssyncadd.s32 $0xFFFFCE00  }
0x4c: {  	_ =	swait.ge [sflag:s10], $0x3200  }
0x4d: {  	[sflag:s10] =	ssyncset.done $0x0  }
0x4e: {  	[sflag:s10] =	ssyncadd.s32 $0xFFFFCE00  }
0x4f: {  	_ =	swait.ge [sflag:s10], $0x3200  }
0x50: {  	[sflag:s10] =	ssyncset.done $0x0  }
0x51: {  	[sflag:s10] =	ssyncadd.s32 $0xFFFFCE00  }
0x52: {  	_ =	swait.ge [sflag:s10], $0x3200  }
0x53: {  	[sflag:s10] =	ssyncset.done $0x0  }
0x54: {  	[sflag:s10] =	ssyncadd.s32 $0xFFFFCE00  }
0x55: {  	_ =	swait.ge [sflag:s10], $0x3200  }
0x56: {  	[sflag:s10] =	ssyncset.done $0x0  }
0x57: {  	[sflag:s10] =	ssyncadd.s32 $0xFFFFCE00  }
0x58: {  	_ =	swait.ge [sflag:s10], $0x3200  }
0x59: {  	[sflag:s10] =	ssyncset.done $0x0  }
0x5a: {  	[sflag:s10] =	ssyncadd.s32 $0xFFFFCE00  }
0x5b: {  	_ =	swait.ge [sflag:s10], $0x3200  }
0x5c: {  	[sflag:s10] =	ssyncset.done $0x0  }
0x5d: {  	[sflag:s10] =	ssyncadd.s32 $0xFFFFCE00  }
0x5e: {  	_ =	swait.ge [sflag:s10], $0x3200  }
0x5f: {  	[sflag:s10] =	ssyncset.done $0x0  }
0x60: {  	[sflag:s10] =	ssyncadd.s32 $0xFFFFCE00  }
0x61: {  	_ =	swait.ge [sflag:s10], $0x3200  }
0x62: {  	[sflag:s10] =	ssyncset.done $0x0  }
0x63: {  	[sflag:s10] =	ssyncadd.s32 $0xFFFFCE00  }
0x64: {  	_ =	swait.ge [sflag:s10], $0x3200  }
0x65: {  	[sflag:s10] =	ssyncset.done $0x0  }
0x66: {  	[sflag:s10] =	ssyncadd.s32 $0xFFFFCE00  }
0x67: {  	_ =	swait.ge [sflag:s10], $0x3200  }
0x68: {  	[sflag:s10] =	ssyncset.done $0x0  }
0x69: {  	[sflag:s10] =	ssyncadd.s32 $0xFFFFCE00  }
0x6a: {  	_ =	swait.ge [sflag:s10], $0x3200  }
0x6b: {  	[sflag:s10] =	ssyncset.done $0x0  }
0x6c: {  	[sflag:s10] =	ssyncadd.s32 $0xFFFFCE00  }
0x6d: {  	_ =	swait.ge [sflag:s10], $0x3200  }
0x6e: {  	[sflag:s10] =	ssyncset.done $0x0  }
0x6f: {  	[sflag:s10] =	ssyncadd.s32 $0xFFFFCE00  }
0x70: {  	_ =	swait.ge [sflag:s10], $0x3200  }
0x71: {  	[sflag:s10] =	ssyncset.done $0x0  }
0x72: {  	[sflag:s10] =	ssyncadd.s32 $0xFFFFCE00  }
0x73: {  	_ =	swait.ge [sflag:s10], $0x3200  }
0x74: {  	[sflag:s10] =	ssyncset.done $0x0  }
0x75: {  	[sflag:s10] =	ssyncadd.s32 $0xFFFFCE00  }
0x76: {  	_ =	swait.ge [sflag:s10], $0x3200  }
0x77: {  	[sflag:s10] =	ssyncset.done $0x0  }
0x78: {  	[sflag:s10] =	ssyncadd.s32 $0xFFFFCE00  }
0x79: {  	_ =	swait.ge [sflag:s10], $0x3200  }
0x7a: {  	[sflag:s10] =	ssyncset.done $0x0  }
0x7b: {  	s11 =	sadd.s32 $0x1, s11;
	[sflag:s10] =	ssyncadd.s32 $0xFFFFCE00  }
0x7c: {  	p0 =	sne.s32 s11, s5;
	_ =	swait.ge [sflag:s10], $0x3200  }
.Ltmp2:
0x7d: {  	[sflag:s10] =	ssyncset.done $0x0;
	(pc) =	sbr.rel @p0 .LBB2_1-.Ltmp2, $4  }
0x7e: {  	[sflag:s10] =	ssyncadd.s32 $0xFFFFCE00  }
0x7f: {  	_ =	swait.ge [sflag:s10], $0x3200  }
0x80: {  	[sflag:s10] =	ssyncset.done $0x0  }
0x81: {  	[sflag:s10] =	ssyncadd.s32 $0xFFFFCE00  }
0x82: {  	_ =	sfence.sel $0x180000  }
0x83: {  	[bflag:$0x0] =	sbarrier.arrive $0xFFFF  }
0x84: {  	p0 =	sne.s32 s2, $0x0;
	_ =	strace $0x90000047  }
0x85: {  	s0 =	sadd.s32 @!p0 $0x100000, s0;
	[bflag:$0x2] =	sbarrier.arrive $0xFFFF  }
0x86: {  	[sflag:s0] =	ssyncadd.tile.s32 @!p0 $0x1;
	_ =	shalt  }
.Lfunc_end2:
_tile_overlayer_lowered:
.L_overlay_start_2:
0x87: {  	(tag) =	ssettag $0x2  }
0x88: {  	s0 =	rddreg [dreg:$0x0];
	s2 =	stileid.u32  }
0x89: {  	s1 =	rddreg [dreg:$0x1];
	p0 =	sne.s32 s2, $0x0  }
0x8a: {  	s3 =	rddreg [dreg:$0x2];
	[bflag:$0x3] =	sbarrier.arrive $0xFFFF;
	s2 =	simm.s32 @!p0 $0x1C02  }
0x8b: {  	[timem:s3], [sflag:s2] =	dma.local @!p0 [hbm:s0], s1  }
0x8c: {  	s0 =	simm.s32 @!p0 $0x2  }
0x8d: {  	_ =	swait.ge @!p0 [sflag:s0], s1  }
0x8e: {  	s1 =	ssub.s32 @!p0 $0x0, s1;
	[sflag:s0] =	ssyncset.done @!p0 $0x0  }
0x8f: {  	[sflag:s0] =	ssyncadd.s32 @!p0 s1  }
0x90: {  	[bflag:$0x3] =	sbarrier.arrive $0xFFFF  }
0x91: {  	_ =	shalt  }

// kernel: sparse-core-data-format-call.cloned.1.call-start
scs
called_computation_lowered:
.L_overlay_start_0:
0x0: {  	s2 =	sld [smem:$0x3FD9]  }
0x1: {  	s3 =	sld [smem:$0x3FFE];
	_ =	sdelay $0x1  }
0x2: {  	s1 =	srdreg.scid  }
0x3: {  	s0 =	sand.u32 $0x1, s1  }
0x4: {  	s18 =	sshll.u32 s0, $0xA;
	s2 =	sadd.s32 s3, s2  }
0x5: {  	s2 =	sadd.s32 s2, s18  }
0x6: {  	[smem:$0x3FC7] =	sst s2  }
0x7: {  	_ = 	snop  }
0x8: {  	s2 =	sld [smem:$0x3FD0];
	(tm) =	ssettm $0x1  }
0x9: {  	s19 =	sld [smem:$0x3FFB];
	_ =	sdelay $0x3  }
0xa: {  	_ =	strace s19  }
0xb: {  	s3 =	sld [smem:$0x3FFC];
	_ =	sdelay $0x3  }
0xc: {  	_ =	strace s3  }
0xd: {  	s3 =	sld [smem:$0x3FFD];
	_ =	sdelay $0x3  }
0xe: {  	_ =	strace s3  }
0xf: {  	_ =	strace $0x8FFFFFFF  }
0x10: {  	s20 =	sld [smem:$0x3FDB];
	_ =	sdelay $0x1  }
0x11: {  	s4 =	simm.s32 $_scs_section_size  }
0x12: {  	s5 =	simm.s32 $_size__tile_overlayer_lowered;
	s6 =	simm.s32 $_tile_overlayer_lowered  }
0x13: {  	s23 =	simm.s32 $0x1BFF;
	s22 =	sshll.u32 s6, $0x1;
	s3 =	sadd.s32 s4, s20  }
0x14: {  	s7 =	simm.s32 $0x0;
	s21 =	sshll.u32 s5, $0x1;
	s5 =	sadd.s32 s22, s3  }
0x15: {  	[timem:s7], [sflag:s23] =	dma.local [hbm:s5], s21  }
0x16: {  	_ =	swait.ge [sflag:s23], s21  }
0x17: {  	s4 =	ssub.s32 $0x0, s21;
	[sflag:s23] =	ssyncset.done $0x0  }
0x18: {  	[sflag:s23] =	ssyncadd.s32 s4;
	_ =	sdelay $0x1  }
0x19: {  	s24 =	simm.s32 $0x1B8B  }
0x1a: {  	_ =	swait.ge [sflag:s24], $0x1  }
0x1b: {  	[sflag:s24] =	ssyncset.done $0x0  }
0x1c: {  	s26 =	simm.s32 $0x1B8E;
	s25 =	sld [smem:$0x3FFE];
	[sflag:s24] =	ssyncadd.s32 $0xFFFFFFFF  }
0x1d: {  	s27 =	simm.s32 $execute0_lowered;
	[smem:$0x3FD2] =	sst s26  }
0x1e: {  	s5 =	sshll.u32 s27, $0x1;
	_ =	strace $0x80000049;
	[dreg:$0x1] =	wrdreg $0xFFFFFFFF  }
0x1f: {  	s28 =	simm.s32 $_size_execute0_lowered;
	s3 =	sadd.s32 s3, s5;
	[dreg:$0x0] =	wrdreg $0x0  }
0x20: {  	s5 =	sshll.u32 s28, $0x1;
	[dreg:$0x2] =	wrdreg s3  }
0x21: {  	[dreg:$0x3] =	wrdreg s5  }
0x22: {  	[dreg:$0x4] =	wrdreg $0xC0  }
0x23: {  	_ =	task [dreg:s7], $0x5FFFF  }
0x24: {  	[dreg:$0x1] =	wrdreg $0xFFFFFFFF  }
0x25: {  	[dreg:$0x0] =	wrdreg $0x60  }
0x26: {  	[dreg:$0x2] =	wrdreg s25  }
0x27: {  	[dreg:$0x3] =	wrdreg s2  }
0x28: {  	[dreg:$0x4] =	wrdreg $0x9  }
0x29: {  	_ =	task.clear_ibuf [dreg:s7], $0x5FFFF;
	_ =	strace $0x90000049  }
0x2a: {  	s29 =	simm.s32 $0x9;
	_ =	strace $0x8000004B  }
0x2b: {  	_ =	swait.ge [sflag:s29], $0x1  }
0x2c: {  	[sflag:s29] =	ssyncadd.s32 $0xFFFFFFFF  }
0x2d: {  	_ =	strace $0x9000004B  }
0x2e: {  	_ =	sfence  }
0x2f: {  	s30 =	sld [smem:$0x0];
	_ =	sdelay $0x2  }
0x30: {  	s31 =	sshll.u32 s1, $0xD;
	s1 =	sshrl.u32 s1, $0x2  }
0x31: {  	s3 =	sand.u32 $0x4000, s31;
	s1 =	sadd.s32 s1, s30  }
0x32: {  	s0 =	sor.u32 s3, s0;
	s1 =	sshll.u32 s1, $0x11  }
0x33: {  	s0 =	sor.u32 s1, s0  }
0x34: {  	s0 =	sadd.s32 $0x8F2B, s0  }
0x35: {  	[sflag:s0] =	ssyncadd.remote.s32 $0x1  }
0x36: {  	_ =	sfence.sel $0xFFFF  }
0x37: {  	[dreg:$0x0] =	wrdreg $0xFFFFFFFF;
	(pc) =	sbr.abs _section_cstart, $3  }
0x38: {  	[dreg:$0x1] =	wrdreg $0xFFFFFFFF  }
0x39: {  	_ =	task.clear_ibuf [dreg:s7], $0x2FFFF;
	_ =	strace $0x9FFFFFFF  }
0x3a: {  	(tm) =	ssettm $0x7FFFFFFF  }
0x3b: {  	_ =	shalt  }
tec
execute0_lowered:
.L_overlay_start_1:
0x0: {  	(tag) =	ssettag $0x1  }
0x1: {  	s0 =	srdreg.scid  }
0x2: {  	s1 =	sshll.u32 s0, $0x4  }
0x3: {  	s0 =	stileid.u32;
	s1 =	sand.u32 $0x10, s1  }
0x4: {  	s1 =	sor.u32 s0, s1  }
0x5: {  	s6 =	rddreg [dreg:$0x0];
	s4 =	simm.s32 $0x1;
	s2 =	sshll.u32 s1, $0x7  }
0x6: {  	s7 =	simm.s32 $0x2;
	s13 =	simm.s32 $0x0;
	s1 =	ssub.s32 $0x1000, s2  }
0x7: {  	s8 =	simm.s32 $0x8000;
	s12 =	simm.s32 $0x0;
	s3 =	sand.u32 $0xF80, s1  }
0x8: {  	s9 =	simm.s32 $0x0;
	s5 =	sshrl.u32 s1, $0xC;
	p0 =	sne.s32 s3, $0x0  }
.Ltmp0:
0x9: {  	s1 =	rddreg [dreg:$0x2];
	s4 =	simm.s32 @!p0 $0x0;
	(pc) =	sbr.rel .LBB1_1-.Ltmp0, $4  }
0xa: {  	s11 =	simm.s32 $0x0;
	s3 =	rddreg [dreg:$0x1];
	s5 =	sadd.s32 s4, s5  }
0xb: {  	_ =	strace $0x8000004A;
	s4 =	simm.s32 $0x1;
	s5 =	smul.u32 $0x64, s5  }
0xc: {  	s6 =	sadd.s32 $0x191000, s6;
	s10 =	smov.u32 s2;
	[sflag:s4] =	ssyncpa.u1 $0x0  }
0xd: {  	p0 =	por $0x0, $0x0;
	[sflag:s7] =	ssyncpa.u1 $0x0;
	s7 =	sor.u32 $0x1, s5  }
.LBB1_4:
0xe: {  	v5 =	vld [tilespmem:s17+$0xFFFFFFD0];
	[tilespmem:s16+$0x2040 ss:$0x81] =	vst.msk $0xffff, v4;
	s19 =	sshll.u32 s13, $0xC;
	s20 =	sshll.u32 s12, $0x3  }
0xf: {  	v58 =	vld [tilespmem:s17+$0xFFFFFFE0];
	[tilespmem:s16+$0x2850 ss:$0x81] =	vst.msk $0xffff, v3;
	s19 =	sand.u32 $0xFFFF8000, s19;
	s21 =	sand.u32 $0xFFFFFC00, s20  }
0x10: {  	s18 =	sshra.s32 s18, $0x2;
	v59 =	vld [tilespmem:s17+$0xFFFFFFF0];
	[tilespmem:s16+$0x3060 ss:$0x81] =	vst.msk $0xffff, v2;
	s19 =	sadd.s32 s21, s19  }
0x11: {  	v60 =	vld [tilespmem:s17+$0x0];
	[tilespmem:s16+$0x0 ss:$0x81] =	vst.msk $0xffff, v0;
	s15 =	sadd.s32 s18, s15;
	s26 =	sshrl.u32 s19, $0xC  }
0x12: {  	v61 =	vld [tilespmem:s17+$0x10];
	[tilespmem:s15+$0x3870 ss:$0x81] =	vst.msk $0xffff, v1;
	s27 =	smulhi.u32 $0xA3D71, s26  }
0x13: {  	v62 =	vld [tilespmem:s17+$0x20];
	s28 =	sand.u32 $0x78, s12;
	[tilespmem:s15+$0x810 ss:$0x81] =	vst.msk $0xffff, v5  }
0x14: {  	v63 =	vld [tilespmem:s17+$0xFFFFFFC0];
	s29 =	sshll.u32 s13, $0x7;
	s30 =	sand.u32 $0xC00, s20;
	[tilespmem:s15+$0x1020 ss:$0x81] =	vst.msk $0xffff, v58;
	s18 =	sshrl.u32 s27, $0x1  }
0x15: {  	s13 =	sand.u32 $0x380, s29;
	s17 =	sor.u32 s28, s30;
	[tilespmem:s15+$0x1830 ss:$0x81] =	vst.msk $0xffff, v59;
	s18 =	smul.u32 $0x3200, s18  }
0x16: {  	s13 =	sor.u32 s13, s17;
	[tilespmem:s15+$0x2040 ss:$0x81] =	vst.msk $0xffff, v60  }
0x17: {  	s31 =	sand.u32 $0x7, s12;
	s13 =	sshrl.u32 s13, $0x3;
	[tilespmem:s15+$0x2850 ss:$0x81] =	vst.msk $0xffff, v61;
	s16 =	ssub.s32 s26, s18  }
0x18: {  	s12 =	sshll.u32 s31, $0x12;
	[tilespmem:s15+$0x3060 ss:$0x81] =	vst.msk $0xffff, v62;
	s13 =	sadd.s32 s3, s13;
	s16 =	sshll.u32 s16, $0x9  }
0x19: {  	s12 =	sor.u32 $0x400, s12;
	[tilespmem:s15+$0x0 ss:$0x81] =	vst.msk $0xffff, v63;
	s13 =	sadd.s32 s16, s13  }
0x1a: {  	[hbm4b:s13+s12] =	stream.strided.scatter [tilespmem:s14], [sflag:$0x2], $0x4000, s8, s12, $0x20;
	[tilespmem:$0x10100] =	vst v63  }
.LBB1_5:
0x1b: {  	s14 =	sadd.s32 $0x80, s9  }
0x1c: {  	s12 =	sadd.s32 $0x1000, s10;
	s16 =	smov.u32 s10;
	p2 =	sgt.s32 s14, $0x31FF  }
0x1d: {  	s16 =	smov.u32 @p2 s12  }
0x1e: {  	s14 =	simm.s32 @p2 $0x0;
	p2 =	sgt.s32 s16, $0xFFF  }
0x1f: {  	s16 =	smov.u32 @p2 s2;
	p2 =	sne.s32 s11, s7  }
.Ltmp1:
0x20: {  	p1 =	slt.u32 s11, $0x2;
	(pc) =	sbr.rel @!p2 .LBB1_6-.Ltmp1, $4  }
0x21: {  	s15 =	simm.s32 @!p1 $0x2  }
0x22: {  	s13 =	smov.u32 s9;
	p0 =	por !p0, !p0;
	_ =	swait.ge @!p1 [sflag:s15], $0x4000  }
0x23: {  	s12 =	smov.u32 s10;
	[sflag:s15] =	ssyncset.done @!p1 $0x0;
	s9 =	smov.u32 s14  }
0x24: {  	s11 =	sadd.s32 $0x1, s11;
	[sflag:s15] =	ssyncadd.s32 @!p1 $0xFFFFC000;
	s10 =	smov.u32 s16  }
.LBB1_1:
0x25: {  	p1 =	sge.u32 s11, s5  }
0x26: {  	s14 =	sshrl.u32 @!p1 s10, $0x3  }
0x27: {  	s15 =	sshll.u32 @!p1 s9, $0x3;
	s14 =	smul.u32 @!p1 $0x19000, s14  }
0x28: {  	s16 =	sshll.u32 @!p1 s10, $0x7;
	s15 =	sand.u32 @!p1 $0xFFFFFC00, s15  }
0x29: {  	s14 =	sadd.s32 @!p1 s14, s15;
	s15 =	sand.u32 @!p1 $0x380, s16  }
0x2a: {  	s16 =	sand.u32 @!p1 $0x7F, s9;
	s14 =	sor.u32 @!p1 s15, s14  }
0x2b: {  	s15 =	sor.u32 @!p1 s16, s14  }
0x2c: {  	s16 =	smulhi.u32 @!p1 $0x51EB851F, s15;
	_ =	sdelay $0x1  }
0x2d: {  	s14 =	smulhi.u32 @!p1 $0x51EB851F, s14;
	s16 =	sshrl.u32 @!p1 s16, $0xC  }
0x2e: {  	s16 =	smul.u32 @!p1 $0x3200, s16  }
0x2f: {  	s31 =	sadd.s32 $0xFFFFFFFF, s11;
	s17 =	sxor.u32 @!p1 $0xFFFFFFFF, s11;
	s14 =	sshrl.u32 @!p1 s14, $0xC  }
0x30: {  	s17 =	sshll.u32 @!p1 s17, $0xE;
	s14 =	sand.u32 @!p1 $0xFFF, s14;
	s15 =	ssub.s32 @!p1 s15, s16  }
0x31: {  	s14 =	smul.u32 @!p1 $0x640, s14;
	s16 =	sshrl.u32 @!p1 s15, $0x3;
	s15 =	sand.u32 @!p1 $0x7, s15  }
0x32: {  	s17 =	sand.u32 @!p1 $0x4000, s17;
	s16 =	sadd.s32 @!p1 s6, s16;
	s15 =	sshll.u32 @!p1 s15, $0x12  }
0x33: {  	s14 =	sadd.s32 @!p1 s14, s16;
	s15 =	sor.u32 @!p1 $0x400, s15;
	s16 =	simm.s32 @!p1 $0x19000  }
0x34: {  	[tilespmem:s17], [sflag:$0x1] =	stream.strided.gather @!p1 [hbm4b:s14+s15], $0x4000, s16, s15, $0x38;
	[tilespmem:$0x10100] =	vst v63  }
0x35: {  	p1 =	sge.u32 s31, s5  }
.Ltmp2:
0x36: {  	_ = 	snop;
	(pc) =	sbr.rel @p1 .LBB1_5-.Ltmp2, $1  }
0x37: {  	_ =	sdelay $0x3  }
0x38: {  	s14 =	simm.s32 $0x1  }
0x39: {  	_ =	swait.ge [sflag:s4], $0x4000;
	s14 =	simm.s32 @!p0 $0x0  }
0x3a: {  	[sflag:s4] =	ssyncset.done $0x0;
	s15 =	sshll.u32 s14, $0xE  }
0x3b: {  	[sflag:s4] =	ssyncadd.s32 $0xFFFFC000;
	s17 =	sor.u32 $0x40, s15  }
0x3c: {  	s14 =	smul.u32 $0x10200, s14;
	v0 =	vld [tilespmem:s17+$0x30]  }
0x3d: {  	v1 =	vld [tilespmem:s17+$0xFFFFFFD0]  }
0x3e: {  	s14 =	sshrl.u32 s14, $0x2;
	v5 =	vld [tilespmem:s17+$0xFFFFFFE0]  }
0x3f: {  	v6 =	vld [tilespmem:s17+$0xFFFFFFF0];
	s15 =	sor.u32 $0x8000, s14  }
0x40: {  	s31 =	sand.u32 $0x1, s11;
	v4 =	vld [tilespmem:s17+$0x0];
	s16 =	sadd.s32 $0x0, s15  }
0x41: {  	v3 =	vld [tilespmem:s17+$0x10];
	s14 =	smul.u32 $0x10200, s31;
	[tilespmem:s16+$0x3870 ss:$0x81] =	vst.msk $0xffff, v0  }
0x42: {  	v2 =	vld [tilespmem:s17+$0x20];
	[tilespmem:s16+$0x810 ss:$0x81] =	vst.msk $0xffff, v1  }
0x43: {  	s14 =	sshrl.u32 s14, $0x2;
	v0 =	vld [tilespmem:s17+$0xFFFFFFC0];
	[tilespmem:s16+$0x1020 ss:$0x81] =	vst.msk $0xffff, v5;
	s17 =	sadd.s32 $0x80, s17  }
0x44: {  	s18 =	simm.s32 $0x4;
	s19 =	simm.s32 $0x8;
	s14 =	sor.u32 $0x8000, s14;
	[tilespmem:s16+$0x1830 ss:$0x81] =	vst.msk $0xffff, v6;
	v1 =	vld [tilespmem:s17+$0x30]  }
.LBB1_3:
0x45: {  	p1 =	sne.s32 s19, $0x1FC;
	v5 =	vld [tilespmem:s17+$0xFFFFFFD0];
	[tilespmem:s16+$0x2040 ss:$0x81] =	vst.msk $0xffff, v4  }
0x46: {  	v6 =	vld [tilespmem:s17+$0xFFFFFFE0];
	[tilespmem:s16+$0x2850 ss:$0x81] =	vst.msk $0xffff, v3  }
0x47: {  	s20 =	sshra.s32 s18, $0x2;
	s18 =	smov.u32 s19;
	v7 =	vld [tilespmem:s17+$0xFFFFFFF0];
	[tilespmem:s16+$0x3060 ss:$0x81] =	vst.msk $0xffff, v2  }
.Ltmp3:
0x48: {  	v4 =	vld [tilespmem:s17+$0x0];
	[tilespmem:s16+$0x0 ss:$0x81] =	vst.msk $0xffff, v0;
	s16 =	sadd.s32 s20, s15;
	(pc) =	sbr.rel @p1 .LBB1_3-.Ltmp3, $4  }
0x49: {  	v3 =	vld [tilespmem:s17+$0x10];
	[tilespmem:s16+$0x3870 ss:$0x81] =	vst.msk $0xffff, v1  }
0x4a: {  	[tilespmem:s16+$0x810 ss:$0x81] =	vst.msk $0xffff, v5;
	v2 =	vld [tilespmem:s17+$0x20]  }
0x4b: {  	v0 =	vld [tilespmem:s17+$0xFFFFFFC0];
	[tilespmem:s16+$0x1020 ss:$0x81] =	vst.msk $0xffff, v6;
	s17 =	sadd.s32 $0x80, s17  }
0x4c: {  	s19 =	sadd.s32 $0x4, s19;
	v1 =	vld [tilespmem:s17+$0x30];
	[tilespmem:s16+$0x1830 ss:$0x81] =	vst.msk $0xffff, v7  }
.Ltmp4:
0x4d: {  	_ = 	snop;
	(pc) =	sbr.rel .LBB1_4-.Ltmp4, $1  }
0x4e: {  	_ =	sdelay $0x3  }
.LBB1_6:
0x4f: {  	_ =	sfence.sel $0x180000  }
0x50: {  	s2 =	simm.s32 $0x1;
	[bflag:$0x0] =	sbarrier.arrive $0xFFFF  }
0x51: {  	s31 =	simm.s32 $0x2;
	[sflag:s2] =	ssyncpa.u1 $0x1  }
0x52: {  	[sflag:s31] =	ssyncpa.u1 $0x1  }
0x53: {  	p0 =	sne.s32 s0, $0x0;
	_ =	strace $0x9000004A  }
0x54: {  	s0 =	sadd.s32 @!p0 $0x100000, s1;
	[bflag:$0x2] =	sbarrier.arrive $0xFFFF  }
0x55: {  	[sflag:s0] =	ssyncadd.tile.s32 @!p0 $0x1;
	_ =	shalt  }
.Lfunc_end1:
_tile_overlayer_lowered:
.L_overlay_start_2:
0x56: {  	(tag) =	ssettag $0x2  }
0x57: {  	s0 =	rddreg [dreg:$0x0];
	s2 =	stileid.u32  }
0x58: {  	s1 =	rddreg [dreg:$0x1];
	p0 =	sne.s32 s2, $0x0  }
0x59: {  	s3 =	rddreg [dreg:$0x2];
	[bflag:$0x3] =	sbarrier.arrive $0xFFFF;
	s2 =	simm.s32 @!p0 $0x1C01  }
0x5a: {  	[timem:s3], [sflag:s2] =	dma.local @!p0 [hbm:s0], s1  }
0x5b: {  	s0 =	simm.s32 @!p0 $0x1  }
0x5c: {  	_ =	swait.ge @!p0 [sflag:s0], s1  }
0x5d: {  	s1 =	ssub.s32 @!p0 $0x0, s1;
	[sflag:s0] =	ssyncset.done @!p0 $0x0  }
0x5e: {  	[sflag:s0] =	ssyncadd.s32 @!p0 s1  }
0x5f: {  	[bflag:$0x3] =	sbarrier.arrive $0xFFFF  }
0x60: {  	_ =	shalt  }

</sc_bundles>
